<compile_context>
chip_gen: v7x
topology: tpu7x:2x2x1
jax: 0.10.2.dev20260603
libtpu: 0.0.44.dev20260713+nightly
codegen_flags: <defaults>
</compile_context>

<pallas_src>
import functools
import math

import jax
import jax.numpy as jnp
from jax import lax
from jax.experimental import pallas as pl
from jax.experimental.pallas import tpu as pltpu
from jax.experimental.pallas import tpu_sc as plsc

_NUM_SAMPLED = 5
_NW = 32
_CHUNK = 128


def _sample_negs(n, num_nodes):
    kk = jnp.arange(num_nodes, dtype=jnp.float32)
    sw = (jnp.log(kk + 2.0) - jnp.log(kk + 1.0)) / math.log(num_nodes + 1)
    sw = sw / jnp.linalg.norm(sw)
    return jax.random.choice(jax.random.key(12345), num_nodes,
                             shape=(n, _NUM_SAMPLED), replace=True, p=sw)


def _sc_gather(weights, idx3):
    nw, c_chunks, chunk = idx3.shape
    d = weights.shape[1]
    rows_total = nw * c_chunks * chunk
    rows_per_w = c_chunks * chunk
    mesh = plsc.VectorSubcoreMesh(core_axis_name="c", subcore_axis_name="s")

    @functools.partial(
        pl.kernel,
        mesh=mesh,
        out_type=jax.ShapeDtypeStruct((rows_total, d), jnp.float32),
        compiler_params=pltpu.CompilerParams(use_tc_tiling_on_sc=False),
        scratch_types=[
            pltpu.VMEM((c_chunks, chunk), jnp.int32),
            pltpu.VMEM((chunk, d), jnp.float32),
            pltpu.VMEM((chunk, d), jnp.float32),
            pltpu.SemaphoreType.DMA,
            pltpu.SemaphoreType.DMA,
        ],
    )
    def k(w_hbm, idx_hbm, out_hbm, idx_v, buf0, buf1, sem0, sem1):
        wid = lax.axis_index("s") * 2 + lax.axis_index("c")
        pltpu.sync_copy(idx_hbm.at[wid], idx_v)
        base = wid * rows_per_w

        def body(p, carry):
            c0 = 2 * p
            c1 = c0 + 1
            h0 = pltpu.async_copy(w_hbm.at[idx_v.at[c0]], buf0, sem0)
            h1 = pltpu.async_copy(w_hbm.at[idx_v.at[c1]], buf1, sem1)
            h0.wait()
            pltpu.sync_copy(buf0, out_hbm.at[pl.ds(base + c0 * chunk, chunk)])
            h1.wait()
            pltpu.sync_copy(buf1, out_hbm.at[pl.ds(base + c1 * chunk, chunk)])
            return carry

        lax.fori_loop(0, c_chunks // 2, body, 0)

    return k(weights, idx3)


def _tc_loss_sum(g6, embs):
    n, d = embs.shape
    bt = 2048
    grid = (n // bt,)

    def body(g_ref, e_ref, o_ref):
        i = pl.program_id(0)
        g = g_ref[...]
        e = e_ref[...]
        s = jnp.sum(g * e[None, :, :], axis=-1)
        slot = lax.broadcasted_iota(jnp.int32, s.shape, 0)
        z = jnp.where(slot == 0, s, -s)
        t = jnp.sum(jnp.log(jax.nn.sigmoid(z))).reshape(1, 1)

        @pl.when(i == 0)
        def _():
            o_ref[...] = jnp.zeros((1, 1), jnp.float32)

        o_ref[...] += t

    out = pl.pallas_call(
        body,
        grid=grid,
        in_specs=[
            pl.BlockSpec((6, bt, d), lambda i: (0, i, 0)),
            pl.BlockSpec((bt, d), lambda i: (i, 0)),
        ],
        out_specs=pl.BlockSpec((1, 1), lambda i: (0, 0)),
        out_shape=jax.ShapeDtypeStruct((1, 1), jnp.float32),
    )(g6, embs)
    return out[0, 0]


def kernel(input, embs, label, weights):
    n, d = embs.shape
    num_nodes = weights.shape[0]
    negs = _sample_negs(n, num_nodes)
    idx = jnp.concatenate([label.astype(jnp.int32),
                           negs.T.reshape(-1).astype(jnp.int32)])
    rows_per_w = idx.shape[0] // _NW
    idx3 = idx.reshape(_NW, rows_per_w // _CHUNK, _CHUNK)
    gathered = _sc_gather(weights, idx3)
    g6 = gathered.reshape(_NUM_SAMPLED + 1, n, d)
    total = _tc_loss_sum(g6, embs)
    return -total / n

# --- scband reference (transcript-rebuilt; emitter-appended) ---
"""Pipeline reference for scband-nsloss-6923487281350 (READ-ONLY COPY).

The authoritative reference and input builder live on the scoring server;
editing this copy changes nothing except your own understanding.
"""

import jax, jax.numpy as jnp
import numpy as np
import math

NUM_NODES = 1000000
NUM_SAMPLED = 5
EMBED_DIM = 64
BATCH = 16384


def setup_inputs(seed: int = 0) -> dict:
    key = jax.random.key(seed)
    k1, k2, k3, k4 = jax.random.split(key, 4)
    inp = jax.random.randint(k1, (BATCH,), 0, NUM_NODES)
    embs = jax.random.normal(k2, (BATCH, EMBED_DIM), dtype=jnp.float32)
    label = jax.random.randint(k3, (BATCH,), 0, NUM_NODES)
    # learned parameter: weights ~ Normal(0, 1/sqrt(embedding_size)) per reset_parameters
    weights = jax.random.normal(k4, (NUM_NODES, EMBED_DIM), dtype=jnp.float32) * (1.0 / math.sqrt(EMBED_DIM))
    return {"input": inp, "embs": embs, "label": label, "weights": weights}


def reference(input, embs, label, weights):
    n = input.shape[0]
    num_nodes = weights.shape[0]
    # sample_weights = normalize([(log(k+2)-log(k+1))/log(num_nodes+1)], dim=0)  (L2 normalize)
    kk = jnp.arange(num_nodes, dtype=jnp.float32)
    sw = (jnp.log(kk + 2.0) - jnp.log(kk + 1.0)) / math.log(num_nodes + 1)
    sw = sw / jnp.linalg.norm(sw)
    # negatives: multinomial with replacement over sample_weights (self-normalizing)
    negs = jax.random.choice(jax.random.key(12345), num_nodes,
                             shape=(n, NUM_SAMPLED), replace=True, p=sw)
    # log sigmoid of positive scores
    log_target = jnp.log(jax.nn.sigmoid(jnp.sum(embs * weights[label], axis=1)))
    # negative scores: noise = -weights[negs]; bmm(noise, embs[:, :, None])
    noise = -weights[negs]                      # [n, num_sampled, d]
    scores = jnp.einsum('nkd,nd->nk', noise, embs)  # [n, num_sampled]
    sum_log_sampled = jnp.sum(jnp.log(jax.nn.sigmoid(scores)), axis=1)
    loss = log_target + sum_log_sampled
    return -jnp.sum(loss) / n

if __name__ == "__main__":
    import jax
    _d = setup_inputs()
    print(jax.jit(kernel)(*tuple(_d.values())))

</pallas_src>

<mosaic_0001>
#map = affine_map<(d0, d1) -> (0, 0)>
#map1 = affine_map<(d0, d1) -> (0, 0, 0)>
module attributes {stable_mosaic.version = 14 : i64} {
  func.func @k(%arg0: i32, %arg1: i32, %arg2: memref<1000000x64xf32, #tpu.memory_space<hbm>>, %arg3: memref<32x24x128xi32, #tpu.memory_space<hbm>>, %arg4: memref<98304x64xf32, #tpu.memory_space<hbm>>, %arg5: memref<24x128xi32, #tpu.memory_space<vmem>>, %arg6: memref<128x64xf32, #tpu.memory_space<vmem>>, %arg7: memref<128x64xf32, #tpu.memory_space<vmem>>, %arg8: memref<!tpu.dma_semaphore, #tpu.memory_space<semaphore_mem>>, %arg9: memref<!tpu.dma_semaphore, #tpu.memory_space<semaphore_mem>>) attributes {dimension_semantics = [#tpu.dimension_semantics<core_parallel>, #tpu.dimension_semantics<subcore_parallel>], iteration_bounds = array<i64: 2, 16>, scalar_prefetch = 0 : i64, scratch_operands = 5 : i64, tpu.core_type = #tpu.core_type<sc_vector_subcore>, window_params = [{transform_indices = #map}, {transform_indices = #map1}, {transform_indices = #map}]} {
    %mul3A = arith.constant 2 : i32
    %mul3A_0 = arith.muli %arg1, %mul3A : i32
    %add3A = arith.addi %mul3A_0, %arg0 : i32
    "tpu.region"() ({
      %run_scoped3A = tpu.sem_alloc : memref<!tpu.dma_semaphore, #tpu.memory_space<semaphore_mem>>
      %dma_start3A = arith.constant 0 : i32
      %dma_start3A_8 = arith.constant 0 : i32
      %dma_start3A_9 = tpu.memref_slice %arg3[%add3A, %dma_start3A, %dma_start3A_8] : memref<32x24x128xi32, #tpu.memory_space<hbm>> -> memref<1x24x128xi32, #tpu.memory_space<hbm>>
      %dma_start3A_10 = tpu.memref_squeeze %dma_start3A_9 : memref<1x24x128xi32, #tpu.memory_space<hbm>> -> memref<24x128xi32, #tpu.memory_space<hbm>>
      %dma_start3A_11 = arith.constant 0 : i32
      %dma_start3A_12 = arith.constant 0 : i32
      %dma_start3A_13 = tpu.memref_slice %arg3[%add3A, %dma_start3A_11, %dma_start3A_12] : memref<32x24x128xi32, #tpu.memory_space<hbm>> -> memref<1x24x128xi32, #tpu.memory_space<hbm>>
      %dma_start3A_14 = tpu.memref_squeeze %dma_start3A_13 : memref<1x24x128xi32, #tpu.memory_space<hbm>> -> memref<24x128xi32, #tpu.memory_space<hbm>>
      tpu.enqueue_dma source(%dma_start3A_14 : memref<24x128xi32, #tpu.memory_space<hbm>>) target(%arg5 : memref<24x128xi32, #tpu.memory_space<vmem>>) target_semaphore(%run_scoped3A : memref<!tpu.dma_semaphore, #tpu.memory_space<semaphore_mem>>)
      %dma_wait3A = arith.constant 0 : i32
      %dma_wait3A_15 = arith.constant 0 : i32
      %dma_wait3A_16 = tpu.memref_slice %arg3[%add3A, %dma_wait3A, %dma_wait3A_15] : memref<32x24x128xi32, #tpu.memory_space<hbm>> -> memref<1x24x128xi32, #tpu.memory_space<hbm>>
      %dma_wait3A_17 = tpu.memref_squeeze %dma_wait3A_16 : memref<1x24x128xi32, #tpu.memory_space<hbm>> -> memref<24x128xi32, #tpu.memory_space<hbm>>
      %dma_wait3A_18 = arith.constant 0 : i32
      %dma_wait3A_19 = arith.constant 0 : i32
      %dma_wait3A_20 = tpu.memref_slice %arg3[%add3A, %dma_wait3A_18, %dma_wait3A_19] : memref<32x24x128xi32, #tpu.memory_space<hbm>> -> memref<1x24x128xi32, #tpu.memory_space<hbm>>
      %dma_wait3A_21 = tpu.memref_squeeze %dma_wait3A_20 : memref<1x24x128xi32, #tpu.memory_space<hbm>> -> memref<24x128xi32, #tpu.memory_space<hbm>>
      tpu.wait_dma2 semaphore(%run_scoped3A : memref<!tpu.dma_semaphore, #tpu.memory_space<semaphore_mem>>) src(%dma_wait3A_21 : memref<24x128xi32, #tpu.memory_space<hbm>>) dst(%arg5 : memref<24x128xi32, #tpu.memory_space<vmem>>)
      tpu.yield
    }) : () -> ()
    %mul3A_1 = arith.constant 3072 : i32
    %mul3A_2 = arith.muli %add3A, %mul3A_1 : i32
    %scan3A = arith.constant 0 : i32
    %scan3A_3 = arith.constant 0 : i32
    %scan3A_4 = arith.constant 12 : i32
    %scan3A_5 = arith.addi %scan3A_3, %scan3A_4 : i32
    %scan3A_6 = arith.constant 1 : i32
    scf.for %scan3A_8 = %scan3A_3 to %scan3A_5 step %scan3A_6  : i32 {
      %mul3A_9 = arith.constant 2 : i32
      %mul3A_10 = arith.muli %mul3A_9, %scan3A_8 : i32
      %add3A_11 = arith.constant 1 : i32
      %add3A_12 = arith.addi %mul3A_10, %add3A_11 : i32
      %dma_start3A = arith.constant 0 : i32
      %dma_start3A_13 = tpu.memref_slice %arg5[%mul3A_10, %dma_start3A] : memref<24x128xi32, #tpu.memory_space<vmem>> -> memref<1x128xi32, #tpu.memory_space<vmem>>
      %dma_start3A_14 = tpu.memref_squeeze %dma_start3A_13 : memref<1x128xi32, #tpu.memory_space<vmem>> -> memref<128xi32, #tpu.memory_space<vmem>>
      %dma_start3A_15 = arith.constant 0 : i32
      %dma_start3A_16 = arith.constant 0 : i32
      %dma_start3A_17 = tpu.memref_slice %arg2[%dma_start3A_15, %dma_start3A_16] : memref<1000000x64xf32, #tpu.memory_space<hbm>> -> memref<1000000x64xf32, #tpu.memory_space<hbm>>
      tpu.enqueue_indirect_dma source(%dma_start3A_17 : memref<1000000x64xf32, #tpu.memory_space<hbm>>) target(%arg6 : memref<128x64xf32, #tpu.memory_space<vmem>>) offsets(%dma_start3A_14 : memref<128xi32, #tpu.memory_space<vmem>>) semaphore(%arg8 : memref<!tpu.dma_semaphore, #tpu.memory_space<semaphore_mem>>)
      %dma_start3A_18 = arith.constant 0 : i32
      %dma_start3A_19 = tpu.memref_slice %arg5[%add3A_12, %dma_start3A_18] : memref<24x128xi32, #tpu.memory_space<vmem>> -> memref<1x128xi32, #tpu.memory_space<vmem>>
      %dma_start3A_20 = tpu.memref_squeeze %dma_start3A_19 : memref<1x128xi32, #tpu.memory_space<vmem>> -> memref<128xi32, #tpu.memory_space<vmem>>
      %dma_start3A_21 = arith.constant 0 : i32
      %dma_start3A_22 = arith.constant 0 : i32
      %dma_start3A_23 = tpu.memref_slice %arg2[%dma_start3A_21, %dma_start3A_22] : memref<1000000x64xf32, #tpu.memory_space<hbm>> -> memref<1000000x64xf32, #tpu.memory_space<hbm>>
      tpu.enqueue_indirect_dma source(%dma_start3A_23 : memref<1000000x64xf32, #tpu.memory_space<hbm>>) target(%arg7 : memref<128x64xf32, #tpu.memory_space<vmem>>) offsets(%dma_start3A_20 : memref<128xi32, #tpu.memory_space<vmem>>) semaphore(%arg9 : memref<!tpu.dma_semaphore, #tpu.memory_space<semaphore_mem>>)
      %dma_wait3A = arith.constant 0 : i32
      %dma_wait3A_24 = tpu.memref_slice %arg5[%mul3A_10, %dma_wait3A] : memref<24x128xi32, #tpu.memory_space<vmem>> -> memref<1x128xi32, #tpu.memory_space<vmem>>
      %dma_wait3A_25 = tpu.memref_squeeze %dma_wait3A_24 : memref<1x128xi32, #tpu.memory_space<vmem>> -> memref<128xi32, #tpu.memory_space<vmem>>
      %dma_wait3A_26 = arith.constant 0 : i32
      %dma_wait3A_27 = arith.constant 0 : i32
      %dma_wait3A_28 = tpu.memref_slice %arg2[%dma_wait3A_26, %dma_wait3A_27] : memref<1000000x64xf32, #tpu.memory_space<hbm>> -> memref<1000000x64xf32, #tpu.memory_space<hbm>>
      tpu.wait_indirect_dma semaphore(%arg8 : memref<!tpu.dma_semaphore, #tpu.memory_space<semaphore_mem>>) src(%dma_wait3A_28 : memref<1000000x64xf32, #tpu.memory_space<hbm>>) dst(%arg6 : memref<128x64xf32, #tpu.memory_space<vmem>>)
      %mul3A_29 = arith.constant 128 : i32
      %mul3A_30 = arith.muli %mul3A_10, %mul3A_29 : i32
      %add3A_31 = arith.addi %mul3A_2, %mul3A_30 : i32
      "tpu.region"() ({
        %run_scoped3A = tpu.sem_alloc : memref<!tpu.dma_semaphore, #tpu.memory_space<semaphore_mem>>
        %dma_start3A_41 = arith.constant 0 : i32
        %dma_start3A_42 = tpu.memref_slice %arg4[%add3A_31, %dma_start3A_41] : memref<98304x64xf32, #tpu.memory_space<hbm>> -> memref<128x64xf32, #tpu.memory_space<hbm>>
        %dma_start3A_43 = arith.constant 0 : i32
        %dma_start3A_44 = tpu.memref_slice %arg4[%add3A_31, %dma_start3A_43] : memref<98304x64xf32, #tpu.memory_space<hbm>> -> memref<128x64xf32, #tpu.memory_space<hbm>>
        tpu.enqueue_dma source(%arg6 : memref<128x64xf32, #tpu.memory_space<vmem>>) target(%dma_start3A_44 : memref<128x64xf32, #tpu.memory_space<hbm>>) target_semaphore(%run_scoped3A : memref<!tpu.dma_semaphore, #tpu.memory_space<semaphore_mem>>)
        %dma_wait3A_45 = arith.constant 0 : i32
        %dma_wait3A_46 = tpu.memref_slice %arg4[%add3A_31, %dma_wait3A_45] : memref<98304x64xf32, #tpu.memory_space<hbm>> -> memref<128x64xf32, #tpu.memory_space<hbm>>
        %dma_wait3A_47 = arith.constant 0 : i32
        %dma_wait3A_48 = tpu.memref_slice %arg4[%add3A_31, %dma_wait3A_47] : memref<98304x64xf32, #tpu.memory_space<hbm>> -> memref<128x64xf32, #tpu.memory_space<hbm>>
        tpu.wait_dma2 semaphore(%run_scoped3A : memref<!tpu.dma_semaphore, #tpu.memory_space<semaphore_mem>>) src(%arg6 : memref<128x64xf32, #tpu.memory_space<vmem>>) dst(%dma_wait3A_48 : memref<128x64xf32, #tpu.memory_space<hbm>>)
        tpu.yield
      }) : () -> ()
      %dma_wait3A_32 = arith.constant 0 : i32
      %dma_wait3A_33 = tpu.memref_slice %arg5[%add3A_12, %dma_wait3A_32] : memref<24x128xi32, #tpu.memory_space<vmem>> -> memref<1x128xi32, #tpu.memory_space<vmem>>
      %dma_wait3A_34 = tpu.memref_squeeze %dma_wait3A_33 : memref<1x128xi32, #tpu.memory_space<vmem>> -> memref<128xi32, #tpu.memory_space<vmem>>
      %dma_wait3A_35 = arith.constant 0 : i32
      %dma_wait3A_36 = arith.constant 0 : i32
      %dma_wait3A_37 = tpu.memref_slice %arg2[%dma_wait3A_35, %dma_wait3A_36] : memref<1000000x64xf32, #tpu.memory_space<hbm>> -> memref<1000000x64xf32, #tpu.memory_space<hbm>>
      tpu.wait_indirect_dma semaphore(%arg9 : memref<!tpu.dma_semaphore, #tpu.memory_space<semaphore_mem>>) src(%dma_wait3A_37 : memref<1000000x64xf32, #tpu.memory_space<hbm>>) dst(%arg7 : memref<128x64xf32, #tpu.memory_space<vmem>>)
      %mul3A_38 = arith.constant 128 : i32
      %mul3A_39 = arith.muli %add3A_12, %mul3A_38 : i32
      %add3A_40 = arith.addi %mul3A_2, %mul3A_39 : i32
      "tpu.region"() ({
        %run_scoped3A = tpu.sem_alloc : memref<!tpu.dma_semaphore, #tpu.memory_space<semaphore_mem>>
        %dma_start3A_41 = arith.constant 0 : i32
        %dma_start3A_42 = tpu.memref_slice %arg4[%add3A_40, %dma_start3A_41] : memref<98304x64xf32, #tpu.memory_space<hbm>> -> memref<128x64xf32, #tpu.memory_space<hbm>>
        %dma_start3A_43 = arith.constant 0 : i32
        %dma_start3A_44 = tpu.memref_slice %arg4[%add3A_40, %dma_start3A_43] : memref<98304x64xf32, #tpu.memory_space<hbm>> -> memref<128x64xf32, #tpu.memory_space<hbm>>
        tpu.enqueue_dma source(%arg7 : memref<128x64xf32, #tpu.memory_space<vmem>>) target(%dma_start3A_44 : memref<128x64xf32, #tpu.memory_space<hbm>>) target_semaphore(%run_scoped3A : memref<!tpu.dma_semaphore, #tpu.memory_space<semaphore_mem>>)
        %dma_wait3A_45 = arith.constant 0 : i32
        %dma_wait3A_46 = tpu.memref_slice %arg4[%add3A_40, %dma_wait3A_45] : memref<98304x64xf32, #tpu.memory_space<hbm>> -> memref<128x64xf32, #tpu.memory_space<hbm>>
        %dma_wait3A_47 = arith.constant 0 : i32
        %dma_wait3A_48 = tpu.memref_slice %arg4[%add3A_40, %dma_wait3A_47] : memref<98304x64xf32, #tpu.memory_space<hbm>> -> memref<128x64xf32, #tpu.memory_space<hbm>>
        tpu.wait_dma2 semaphore(%run_scoped3A : memref<!tpu.dma_semaphore, #tpu.memory_space<semaphore_mem>>) src(%arg7 : memref<128x64xf32, #tpu.memory_space<vmem>>) dst(%dma_wait3A_48 : memref<128x64xf32, #tpu.memory_space<hbm>>)
        tpu.yield
      }) : () -> ()
    }
    %scan3A_7 = arith.constant 12 : i32
    return
  }
}

module attributes {stable_mosaic.version = 14 : i64} {
  func.func @body(%arg0: i32, %arg1: memref<6x2048x64xf32, #tpu.memory_space<vmem>>, %arg2: memref<2048x64xf32, #tpu.memory_space<vmem>>, %arg3: memref<1x1xf32, #tpu.memory_space<vmem>>) attributes {dimension_semantics = [#tpu.dimension_semantics<arbitrary>], iteration_bounds = array<i64: 8>, scalar_prefetch = 0 : i64, scratch_operands = 0 : i64, tpu.core_type = #tpu.core_type<tc>, window_params = [{transform_indices = @transform_0, window_bounds = array<i64: 6, 2048, 64>}, {transform_indices = @transform_1, window_bounds = array<i64: 2048, 64>}, {pipeline_mode = #tpu.pipeline_mode<synchronous>, transform_indices = @transform_2, window_bounds = array<i64: 1, 1>}]} {
    %get3A = arith.constant 0 : index
    %get3A_0 = arith.constant 0 : index
    %get3A_1 = arith.constant 0 : index
    %get3A_2 = vector.load %arg1[%get3A, %get3A_0, %get3A_1] : memref<6x2048x64xf32, #tpu.memory_space<vmem>>, vector<6x2048x64xf32>
    %get3A_3 = arith.constant 0 : index
    %get3A_4 = arith.constant 0 : index
    %get3A_5 = vector.load %arg2[%get3A_3, %get3A_4] : memref<2048x64xf32, #tpu.memory_space<vmem>>, vector<2048x64xf32>
    %broadcast_in_dim3A = vector.shape_cast %get3A_5 : vector<2048x64xf32> to vector<1x2048x64xf32>
    %mul3A = vector.broadcast %broadcast_in_dim3A : vector<1x2048x64xf32> to vector<6x2048x64xf32>
    %mul3A_6 = arith.mulf %get3A_2, %mul3A : vector<6x2048x64xf32>
    %reduce_sum3A = arith.constant dense<0.000000e+00> : vector<6x2048xf32>
    %reduce_sum3A_7 = vector.multi_reduction <add>, %mul3A_6, %reduce_sum3A [2] : vector<6x2048x64xf32> to vector<6x2048xf32>
    %iota3A = tpu.iota {dimensions = array<i32: 0>} : vector<6x2048xi32>
    %eq3A = arith.constant 0 : i32
    %eq3A_8 = vector.broadcast %eq3A : i32 to vector<6x2048xi32>
    %eq3A_9 = arith.cmpi eq, %iota3A, %eq3A_8 : vector<6x2048xi32>
    %neg3A = arith.constant 0.000000e+00 : f32
    %neg3A_10 = vector.broadcast %neg3A : f32 to vector<6x2048xf32>
    %neg3A_11 = arith.subf %neg3A_10, %reduce_sum3A_7 : vector<6x2048xf32>
    %select_n3A = arith.select %eq3A_9, %reduce_sum3A_7, %neg3A_11 : vector<6x2048xi1>, vector<6x2048xf32>
    %logistic3A = arith.negf %select_n3A : vector<6x2048xf32>
    %logistic3A_12 = math.exp %logistic3A : vector<6x2048xf32>
    %logistic3A_13 = arith.constant 1.000000e+00 : f32
    %logistic3A_14 = vector.broadcast %logistic3A_13 : f32 to vector<6x2048xf32>
    %logistic3A_15 = arith.addf %logistic3A_14, %logistic3A_12 : vector<6x2048xf32>
    %logistic3A_16 = arith.divf %logistic3A_14, %logistic3A_15 : vector<6x2048xf32>
    %log3A = math.log %logistic3A_16 : vector<6x2048xf32>
    %reduce_sum3A_17 = vector.shape_cast %log3A : vector<6x2048xf32> to vector<1x6x2048xf32>
    %reduce_sum3A_18 = arith.constant dense<0.000000e+00> : vector<1xf32>
    %reduce_sum3A_19 = vector.multi_reduction <add>, %reduce_sum3A_17, %reduce_sum3A_18 [1, 2] : vector<1x6x2048xf32> to vector<1xf32>
    %reduce_sum3A_20 = vector.shape_cast %reduce_sum3A_19 : vector<1xf32> to vector<1x1x1xf32>
    %reduce_sum3A_21 = vector.extract %reduce_sum3A_20[0, 0, 0] : f32 from vector<1x1x1xf32>
    %reshape3A = vector.broadcast %reduce_sum3A_21 : f32 to vector<1x1xf32>
    %eq3A_22 = arith.constant 0 : i32
    %eq3A_23 = arith.cmpi eq, %arg0, %eq3A_22 : i32
    %convert_element_type3A = arith.extui %eq3A_23 : i1 to i32
    %cond3A = arith.constant 0 : i32
    %cond3A_24 = arith.cmpi ne, %convert_element_type3A, %cond3A : i32
    scf.if %cond3A_24 {
      %broadcast_in_dim3A_30 = arith.constant 0.000000e+00 : f32
      %broadcast_in_dim3A_31 = vector.broadcast %broadcast_in_dim3A_30 : f32 to vector<1x1xf32>
      %swap3A_32 = arith.constant 0 : index
      %swap3A_33 = arith.constant 0 : index
      %swap3A_34 = vector.load %arg3[%swap3A_32, %swap3A_33] : memref<1x1xf32, #tpu.memory_space<vmem>>, vector<1x1xf32>
      tpu.vector_store %arg3[%swap3A_32, %swap3A_33], %broadcast_in_dim3A_31 {strides = array<i32>} : memref<1x1xf32, #tpu.memory_space<vmem>>, vector<1x1xf32>,
    } else {
    }
    %get3A_25 = arith.constant 0 : index
    %get3A_26 = arith.constant 0 : index
    %get3A_27 = vector.load %arg3[%get3A_25, %get3A_26] : memref<1x1xf32, #tpu.memory_space<vmem>>, vector<1x1xf32>
    %add3A = arith.addf %get3A_27, %reshape3A : vector<1x1xf32>
    %swap3A = arith.constant 0 : index
    %swap3A_28 = arith.constant 0 : index
    %swap3A_29 = vector.load %arg3[%swap3A, %swap3A_28] : memref<1x1xf32, #tpu.memory_space<vmem>>, vector<1x1xf32>
    tpu.vector_store %arg3[%swap3A, %swap3A_28], %add3A {strides = array<i32>} : memref<1x1xf32, #tpu.memory_space<vmem>>, vector<1x1xf32>,
    return
  }
  func.func @transform_0(%arg0: i32) -> (i32, i32, i32) {
    %c0_i32 = arith.constant 0 : i32
    %c0_i32_0 = arith.constant 0 : i32
    %c0_i32_1 = arith.constant 0 : i32
    return %c0_i32, %arg0, %c0_i32_0 : i32, i32, i32
  }
  func.func @transform_1(%arg0: i32) -> (i32, i32) {
    %c0_i32 = arith.constant 0 : i32
    %c0_i32_0 = arith.constant 0 : i32
    return %arg0, %c0_i32 : i32, i32
  }
  func.func @transform_2(%arg0: i32) -> (i32, i32) {
    %c0_i32 = arith.constant 0 : i32
    %c0_i32_0 = arith.constant 0 : i32
    %c0_i32_1 = arith.constant 0 : i32
    return %c0_i32, %c0_i32_0 : i32, i32
  }
}

</mosaic_0001>

<sc_bundles>
// kernel: gather_offload_async_start
scs
__scs_entry_jumppad:
0x0: {  	(pc) =	sbr.rel $0x88, $3  }
0x1: {  	(tag) =	ssettag $0x0;
	lr =	simm.s32 $0x1  }
0x2: {  	[smem:$0x3F9E] =	sst lr;
	_ =	strace $0xD0000000  }
0x3: {  	_ = 	snop  }
0x4: {  	_ = 	snop  }
0x5: {  	_ = 	snop  }
0x6: {  	_ = 	snop  }
0x7: {  	_ = 	snop  }
__scs_overlays_trampoline_lowered:
0x8: {  	[smem:$0x3FAD] =	sst s0  }
0x9: {  	[smem:$0x3FAE] =	sst s1  }
0xa: {  	[smem:$0x3FAF] =	sst s2  }
0xb: {  	[smem:$0x3FB0] =	sst s3  }
0xc: {  	[smem:$0x3FB1] =	sst s4  }
0xd: {  	[smem:$0x3FB2] =	sst s5  }
0xe: {  	[smem:$0x3FB3] =	sst s6  }
0xf: {  	[smem:$0x3FB4] =	sst s7  }
0x10: {  	[smem:$0x3FB5] =	sst s8  }
0x11: {  	[smem:$0x3FB6] =	sst s9;
	s0 =	simm.s32 @!p0 $0x0  }
0x12: {  	s1 =	sld [smem:$0x3F9C];
	s0 =	simm.s32 @p0 $0x1  }
0x13: {  	[smem:$0x3FB7] =	sst s0;
	s0 =	simm.s32 @!p1 $0x0  }
0x14: {  	s2 =	sld [smem:$0x3F9B];
	s0 =	simm.s32 @p1 $0x1  }
0x15: {  	[smem:$0x3FB8] =	sst s0;
	s0 =	simm.s32 @!p2 $0x0  }
0x16: {  	s3 =	sld [smem:$0x3FDB];
	s0 =	simm.s32 @p2 $0x1  }
0x17: {  	s4 =	simm.s32 $0x1BF5;
	[smem:$0x3FBA] =	sst s0  }
0x18: {  	s0 =	sld [smem:$0x3F9D];
	_ =	swait.ge [sflag:s4], $0x0  }
0x19: {  	s7 =	sld [smem:$0x3F9E]  }
0x1a: {  	s8 =	sadd.s32 $0xFFFFE003, lr  }
0x1b: {  	s9 =	sadd.s32 $0xFFFFFEF7, lr;
	s5 =	simm.s32 $0xFFFFFFFF;
	p2 =	slt.u32 s8, $0xFFFFF086  }
0x1c: {  	p1 =	slt.u32 s9, $0xF7A;
	s5 =	simm.s32 @!p2 $0x0  }
0x1d: {  	s5 =	simm.s32 @p1 $0x1;
	p0 =	seq.s32 s7, s2  }
0x1e: {  	s7 =	smul.u32 @!p0 $0xF7A, s2;
	p2 =	seq.s32 @!p0 s5, $0x0  }
0x1f: {  	s9 =	smul.u32 $0xF7A, s1;
	s8 =	simm.s32 @!p0 $0x1BF5;
	p2 =	por !p2, p0  }
0x20: {  	[sflag:s8] =	ssyncset.s32 @!p0 $0xFFFFF086;
	s6 =	sadd.s32 @!p0 s3, s7;
	s7 =	simm.s32 @!p0 $0x108  }
0x21: {  	s3 =	sadd.s32 s3, s9;
	s6 =	sadd.s32 @!p0 $0x88, s6;
	s7 =	simm.s32 @p2 $0x1082  }
0x22: {  	[simem:s7], [sflag:s8] =	dma.local @!p0 [hbm:s6], $0xF7A  }
0x23: {  	s9 =	sor.u32 $0xD0000000, s2;
	s6 =	simm.s32 $0x108;
	_ =	swait.ge @!p0 [sflag:s8], $0x0  }
0x24: {  	s3 =	sadd.s32 $0x88, s3;
	s6 =	simm.s32 @!p1 $0x1082;
	[sflag:s4] =	ssyncset.s32 $0xFFFFF086  }
0x25: {  	[simem:s6], [sflag:s4] =	dma.local [hbm:s3], $0xF7A  }
0x26: {  	[smem:$0x3F9E] =	sst s1;
	(tag) =	ssettag s2;
	_ =	strace s9  }
0x27: {  	s1 =	sld [smem:$0x3FAE]  }
0x28: {  	s2 =	sld [smem:$0x3FAF]  }
0x29: {  	s4 =	sld [smem:$0x3FB1]  }
0x2a: {  	p0 =	seq.s32 s5, $0x0;
	s5 =	sld [smem:$0x3FB2]  }
0x2b: {  	s6 =	sld [smem:$0x3FB3]  }
0x2c: {  	s7 =	sld [smem:$0x3FB4]  }
0x2d: {  	s3 =	simm.s32 $0x108;
	s8 =	sld [smem:$0x3FB5]  }
0x2e: {  	s3 =	simm.s32 @!p0 $0x1082;
	s9 =	sld [smem:$0x3FB6]  }
0x2f: {  	lr =	sadd.s32 s0, s3;
	s0 =	sld [smem:$0x3FAD]  }
0x30: {  	s3 =	sld [smem:$0x3FB0]  }
0x31: {  	[smem:$0x3FB9] =	sst s10  }
0x32: {  	s10 =	sld [smem:$0x3FB7];
	_ =	sdelay $0x3  }
0x33: {  	p0 =	seq.s32 s10, $0x1;
	s10 =	sld [smem:$0x3FB9];
	_ =	sdelay $0x3  }
0x34: {  	[smem:$0x3FB9] =	sst s10  }
0x35: {  	s10 =	sld [smem:$0x3FB8];
	_ =	sdelay $0x3  }
0x36: {  	p1 =	seq.s32 s10, $0x1;
	s10 =	sld [smem:$0x3FB9];
	_ =	sdelay $0x3  }
0x37: {  	[smem:$0x3FB9] =	sst s10  }
0x38: {  	s10 =	sld [smem:$0x3FBA]  }
0x39: {  	_ = 	snop;
	(pc) =	sbr.ind lr, $3  }
0x3a: {  	_ = 	snop  }
0x3b: {  	_ = 	snop  }
0x3c: {  	p2 =	seq.s32 s10, $0x1;
	s10 =	sld [smem:$0x3FB9]  }
0x3d: {  	_ =	shalt  }
0x3e: {  	_ =	shalt  }
0x3f: {  	_ =	shalt  }
0x40: {  	_ =	shalt  }
0x41: {  	_ =	shalt  }
0x42: {  	_ =	shalt  }
0x43: {  	_ =	shalt  }
0x44: {  	_ =	shalt  }
0x45: {  	_ =	shalt  }
0x46: {  	_ =	shalt  }
0x47: {  	_ =	shalt  }
0x48: {  	_ =	shalt  }
0x49: {  	_ =	shalt  }
0x4a: {  	_ =	shalt  }
0x4b: {  	_ =	shalt  }
0x4c: {  	_ =	shalt  }
0x4d: {  	_ =	shalt  }
0x4e: {  	_ =	shalt  }
0x4f: {  	_ =	shalt  }
0x50: {  	_ =	shalt  }
0x51: {  	_ =	shalt  }
0x52: {  	_ =	shalt  }
0x53: {  	_ =	shalt  }
0x54: {  	_ =	shalt  }
0x55: {  	_ =	shalt  }
0x56: {  	_ =	shalt  }
0x57: {  	_ =	shalt  }
0x58: {  	_ =	shalt  }
0x59: {  	_ =	shalt  }
0x5a: {  	_ =	shalt  }
0x5b: {  	_ =	shalt  }
0x5c: {  	_ =	shalt  }
0x5d: {  	_ =	shalt  }
0x5e: {  	_ =	shalt  }
0x5f: {  	_ =	shalt  }
0x60: {  	_ =	shalt  }
0x61: {  	_ =	shalt  }
0x62: {  	_ =	shalt  }
0x63: {  	_ =	shalt  }
0x64: {  	_ =	shalt  }
0x65: {  	_ =	shalt  }
0x66: {  	_ =	shalt  }
0x67: {  	_ =	shalt  }
0x68: {  	_ =	shalt  }
0x69: {  	_ =	shalt  }
0x6a: {  	_ =	shalt  }
0x6b: {  	_ =	shalt  }
0x6c: {  	_ =	shalt  }
0x6d: {  	_ =	shalt  }
0x6e: {  	_ =	shalt  }
0x6f: {  	_ =	shalt  }
0x70: {  	_ =	shalt  }
0x71: {  	_ =	shalt  }
0x72: {  	_ =	shalt  }
0x73: {  	_ =	shalt  }
0x74: {  	_ =	shalt  }
0x75: {  	_ =	shalt  }
0x76: {  	_ =	shalt  }
0x77: {  	_ =	shalt  }
0x78: {  	_ =	shalt  }
0x79: {  	_ =	shalt  }
0x7a: {  	_ =	shalt  }
0x7b: {  	_ =	shalt  }
0x7c: {  	_ =	shalt  }
0x7d: {  	_ =	shalt  }
0x7e: {  	_ =	shalt  }
0x7f: {  	_ =	shalt  }
0x80: {  	_ =	shalt  }
0x81: {  	_ =	shalt  }
0x82: {  	_ =	shalt  }
0x83: {  	_ =	shalt  }
0x84: {  	_ =	shalt  }
0x85: {  	_ =	shalt  }
0x86: {  	_ =	shalt  }
0x87: {  	_ =	shalt  }
.Lfunc_end0:
.L_simem_size_0:
called_computation_lowered:
.L_overlay_start_0:
0x88: {  	s2 =	sld [smem:$0x3FD9]  }
0x89: {  	s3 =	sld [smem:$0x3FFE];
	_ =	sdelay $0x1  }
0x8a: {  	s1 =	srdreg.scid  }
0x8b: {  	s0 =	sand.u32 $0x1, s1  }
0x8c: {  	s16 =	sshll.u32 s0, $0xA;
	s2 =	sadd.s32 s3, s2  }
0x8d: {  	s2 =	sadd.s32 s2, s16  }
0x8e: {  	[smem:$0x3FC5] =	sst s2  }
0x8f: {  	_ = 	snop  }
0x90: {  	(tm) =	ssettm $0x1  }
0x91: {  	s17 =	sld [smem:$0x3FFB];
	_ =	sdelay $0x3  }
0x92: {  	_ =	strace s17  }
0x93: {  	s2 =	sld [smem:$0x3FFC];
	_ =	sdelay $0x3  }
0x94: {  	_ =	strace s2  }
0x95: {  	s2 =	sld [smem:$0x3FFD];
	_ =	sdelay $0x3  }
0x96: {  	_ =	strace s2  }
0x97: {  	_ =	strace $0x8FFFFFFF  }
0x98: {  	s18 =	sld [smem:$0x3FDB];
	_ =	sdelay $0x1  }
0x99: {  	s19 =	simm.s32 $_scs_section_size  }
0x9a: {  	s4 =	simm.s32 $_size__tile_overlayer_lowered;
	s5 =	simm.s32 $_tile_overlayer_lowered  }
0x9b: {  	s22 =	simm.s32 $0x1BFF;
	s21 =	sshll.u32 s5, $0x1;
	s2 =	sadd.s32 s19, s18  }
0x9c: {  	s6 =	simm.s32 $0x0;
	s20 =	sshll.u32 s4, $0x1;
	s4 =	sadd.s32 s21, s2  }
0x9d: {  	[timem:s6], [sflag:s22] =	dma.local [hbm:s4], s20  }
0x9e: {  	_ =	swait.ge [sflag:s22], s20  }
0x9f: {  	s3 =	ssub.s32 $0x0, s20;
	[sflag:s22] =	ssyncset.done $0x0  }
0xa0: {  	[sflag:s22] =	ssyncadd.s32 s3;
	_ =	sdelay $0x1  }
0xa1: {  	s23 =	simm.s32 $0x1B8B  }
0xa2: {  	_ =	swait.ge [sflag:s23], $0x1  }
0xa3: {  	[sflag:s23] =	ssyncset.done $0x0  }
0xa4: {  	s25 =	simm.s32 $0x1B8E;
	s24 =	sld [smem:$0x3FFE];
	[sflag:s23] =	ssyncadd.s32 $0xFFFFFFFF  }
0xa5: {  	s26 =	simm.s32 $execute0_lowered;
	[smem:$0x3FD2] =	sst s25  }
0xa6: {  	s4 =	sshll.u32 s26, $0x1;
	_ =	strace $0x80000049;
	[dreg:$0x1] =	wrdreg $0xFFFFFFFF  }
0xa7: {  	s28 =	simm.s32 $_size_execute0_lowered;
	s2 =	sadd.s32 s2, s4;
	[dreg:$0x0] =	wrdreg $0x0  }
0xa8: {  	s4 =	sshll.u32 s28, $0x1;
	[dreg:$0x2] =	wrdreg s2  }
0xa9: {  	[dreg:$0x3] =	wrdreg s4  }
0xaa: {  	[dreg:$0x4] =	wrdreg $0xC0  }
0xab: {  	_ =	task [dreg:s6], $0x5FFFF  }
0xac: {  	[dreg:$0x1] =	wrdreg $0xFFFFFFFF  }
0xad: {  	[dreg:$0x0] =	wrdreg $0x60  }
0xae: {  	[dreg:$0x2] =	wrdreg s24  }
0xaf: {  	[dreg:$0x3] =	wrdreg $0x9  }
0xb0: {  	_ =	task.clear_ibuf [dreg:s6], $0x4FFFF;
	_ =	strace $0x90000049  }
0xb1: {  	s29 =	simm.s32 $0x9;
	_ =	strace $0x8000004B  }
0xb2: {  	_ =	swait.ge [sflag:s29], $0x1  }
0xb3: {  	[sflag:s29] =	ssyncadd.s32 $0xFFFFFFFF  }
0xb4: {  	_ =	strace $0x9000004B  }
0xb5: {  	_ =	sfence  }
0xb6: {  	s30 =	sld [smem:$0x0];
	_ =	sdelay $0x2  }
0xb7: {  	s31 =	sshll.u32 s1, $0xD;
	s1 =	sshrl.u32 s1, $0x2  }
0xb8: {  	s3 =	sand.u32 $0x4000, s31;
	s1 =	sadd.s32 s1, s30  }
0xb9: {  	s0 =	sor.u32 s3, s0;
	s1 =	sshll.u32 s1, $0x11  }
0xba: {  	s0 =	sor.u32 s1, s0  }
0xbb: {  	s0 =	sadd.s32 $0x8F2B, s0  }
0xbc: {  	[sflag:s0] =	ssyncadd.remote.s32 $0x1  }
0xbd: {  	_ =	sfence.sel $0xFFFF  }
0xbe: {  	[dreg:$0x0] =	wrdreg $0xFFFFFFFF;
	(pc) =	sbr.abs _section_cstart, $3  }
0xbf: {  	[dreg:$0x1] =	wrdreg $0xFFFFFFFF  }
0xc0: {  	_ =	task.clear_ibuf [dreg:s6], $0x2FFFF;
	_ =	strace $0x9FFFFFFF  }
0xc1: {  	(tm) =	ssettm $0x7FFFFFFF  }
tec
execute0_lowered:
.L_overlay_start_1:
0x0: {  	(tag) =	ssettag $0x1  }
0x1: {  	s0 =	srdreg.scid;
	s5 =	rddreg [dreg:$0x0]  }
0x2: {  	s1 =	stileid.u32;
	s6 =	simm.s32 $0x1;
	s9 =	simm.s32 $0x1  }
0x3: {  	s10 =	simm.s32 $0x3;
	s13 =	simm.s32 $0x0;
	s2 =	sshll.u32 s0, $0xB  }
0x4: {  	s12 =	simm.s32 $0x0;
	s3 =	sshll.u32 s1, $0xC;
	s2 =	sand.u32 $0x800, s2  }
0x5: {  	s0 =	rddreg [dreg:$0x1];
	_ =	strace $0x8000004A;
	s2 =	sor.u32 s3, s2  }
0x6: {  	s4 =	sadd.s32 $0x9F000, s5;
	[sflag:s6] =	ssyncpa.u1 $0x0;
	s8 =	ssub.s32 $0x14000, s2  }
.Ltmp0:
0x7: {  	s3 =	sadd.s32 $0x80600, s5;
	s7 =	sand.u32 $0xF800, s8;
	(pc) =	sbr.rel .LBB2_1-.Ltmp0, $4  }
0x8: {  	s5 =	sadd.s32 $0xA1800, s5;
	s11 =	smov.u32 s2;
	p0 =	sne.s32 s7, $0x0  }
0x9: {  	s8 =	sshrl.u32 s8, $0x10;
	s7 =	simm.s32 $0x2;
	s9 =	simm.s32 @!p0 $0x0  }
0xa: {  	[sflag:s7] =	ssyncpa.u1 $0x0;
	p0 =	por $0x0, $0x0;
	s8 =	sadd.s32 s9, s8  }
0xb: {  	vm0 =	vmmov $0xffff;
	[sflag:s10] =	ssyncpa.u1 $0x0;
	s10 =	simm.s32 $0x0;
	s9 =	sadd.s32 $0x1, s8  }
.LBB2_4:
0xc: {  	v2 =	vnsel vm1, $0x0, v2  }
0xd: {  	vm1 =	vgt.s32 v0, $0x0;
	v2 =	vmin.u32 v2, $0xF423F  }
0xe: {  	v0 =	vnsel vm1, $0x0, v0  }
0xf: {  	v0 =	vmin.u32 v0, $0xF423F  }
0x10: {  	[tilespmem:s15], [sflag:$0x1] =	stream.indirect_vreg.gather [hbm4b:s3+s10], $0x1, v1, vm0, $0x4038;
	[tilespmem:$0x2000] =	vst v63  }
0x11: {  	(ifvalue) =	ssetifvalue $0x7FFFFFFF  }
0x12: {  	[tilespmem:s16], [sflag:$0x1] =	stream.indirect_vreg.gather [hbm4b:s3+s10], $0x1, v2, vm0, $0x4038;
	[tilespmem:$0x2000] =	vst v63  }
0x13: {  	s29 =	sadd.s32 $0x10, s16;
	(ifvalue) =	ssetifvalue $0x7FFFFFFF  }
0x14: {  	[tilespmem:s29], [sflag:$0x1] =	stream.indirect_vreg.gather [hbm4b:s3+s10], $0x1, v0, vm0, $0x4038;
	[tilespmem:$0x2000] =	vst v63  }
0x15: {  	_ =	swait.ge [sflag:s6], $0x800  }
0x16: {  	s30 =	sshrl.u32 s13, $0x3;
	[sflag:s6] =	ssyncset.done $0x0  }
0x17: {  	s31 =	sand.u32 $0x7, s13;
	s15 =	sadd.s32 s5, s30;
	[sflag:s6] =	ssyncadd.s32 $0xFFFFF800  }
0x18: {  	[hbm4b:s15+s31] =	stream.linear.scatter [tilespmem:s14], [sflag:$0x3], $0x800, $0x38;
	[tilespmem:$0x2000] =	vst v63  }
.LBB2_5:
0x19: {  	s15 =	sadd.s32 $0x10000, s11  }
0x1a: {  	p2 =	sgt.s32 s15, $0x13FFF  }
0x1b: {  	s15 =	smov.u32 @p2 s2;
	p2 =	sne.s32 s12, s9  }
.Ltmp1:
0x1c: {  	p1 =	slt.u32 s12, $0x2;
	(pc) =	sbr.rel @!p2 .LBB2_6-.Ltmp1, $4  }
0x1d: {  	s14 =	simm.s32 @!p1 $0x3  }
0x1e: {  	s16 =	sadd.s32 $0x1, s12;
	_ =	swait.ge @!p1 [sflag:s14], $0x800  }
0x1f: {  	s13 =	smov.u32 s11;
	p0 =	por !p0, !p0;
	[sflag:s14] =	ssyncset.done @!p1 $0x0  }
0x20: {  	s12 =	smov.u32 s16;
	s11 =	smov.u32 s15;
	[sflag:s14] =	ssyncadd.s32 @!p1 $0xFFFFF800  }
.LBB2_1:
0x21: {  	p1 =	sge.u32 s12, s8  }
0x22: {  	s14 =	sxor.u32 @!p1 $0xFFFFFFFF, s12  }
0x23: {  	s31 =	sadd.s32 $0xFFFFFFFF, s12;
	s15 =	sshrl.u32 @!p1 s11, $0x3;
	s14 =	sshll.u32 @!p1 s14, $0xB  }
0x24: {  	s16 =	sand.u32 @!p1 $0x7, s11;
	s15 =	sadd.s32 @!p1 s4, s15;
	s14 =	sand.u32 @!p1 $0x800, s14  }
0x25: {  	[tilespmem:s14], [sflag:$0x2] =	stream.linear.gather @!p1 [hbm4b:s15+s16], $0x800, $0x38;
	[tilespmem:$0x2000] =	vst v63  }
0x26: {  	p1 =	sge.u32 s31, s8  }
.Ltmp2:
0x27: {  	_ = 	snop;
	(pc) =	sbr.rel @p1 .LBB2_5-.Ltmp2, $1  }
0x28: {  	_ =	sdelay $0x3  }
0x29: {  	s14 =	simm.s32 $0x1  }
0x2a: {  	_ =	swait.ge [sflag:s7], $0x800;
	s14 =	simm.s32 @!p0 $0x0  }
0x2b: {  	[sflag:s7] =	ssyncset.done $0x0;
	s14 =	sshll.u32 s14, $0xB  }
0x2c: {  	[sflag:s7] =	ssyncadd.s32 $0xFFFFF800;
	(ifvalue) =	ssetifvalue $0x7FFFFFFF;
	v0 =	vld.msk [tilespmem:s14+$0x0 ss:$0x1], $0xffff;
	_ =	sdelay $0x4  }
0x2d: {  	s15 =	sadd.s32 $0x10, s14;
	vm1 =	vgt.s32 v0, $0x0  }
0x2e: {  	v2 =	vld.msk [tilespmem:s15+$0x0 ss:$0x1], $0xffff;
	v1 =	vnsel vm1, $0x0, v0  }
0x2f: {  	v1 =	vmin.u32 v1, $0xF423F;
	_ =	sdelay $0x1  }
0x30: {  	s16 =	sshll.u32 s12, $0xB;
	s18 =	simm.s32 $0x20  }
0x31: {  	s16 =	sand.u32 $0x800, s16;
	s17 =	sadd.s32 $0x10, s15;
	s15 =	sor.u32 $0x1000, s14  }
0x32: {  	s14 =	sor.u32 $0x1000, s16;
	s16 =	sadd.s32 $0x10, s15;
	v0 =	vld.msk [tilespmem:s17+$0x0 ss:$0x1], $0xffff;
	vm1 =	vgt.s32 v2, $0x0;
	(ifvalue) =	ssetifvalue $0x7FFFFFFF  }
.LBB2_3:
0x33: {  	[tilespmem:s15], [sflag:$0x1] =	stream.indirect_vreg.gather [hbm4b:s3+s10], $0x1, v1, vm0, $0x4038;
	[tilespmem:$0x2000] =	vst v63  }
0x34: {  	s18 =	sadd.s32 $0x10, s18  }
0x35: {  	v2 =	vnsel vm1, $0x0, v2;
	p1 =	slt.u32 s18, $0x7F0  }
.Ltmp3:
0x36: {  	s15 =	smov.u32 s16;
	v1 =	vmin.u32 v2, $0xF423F;
	(pc) =	sbr.rel @p1 .LBB2_3-.Ltmp3, $3  }
0x37: {  	_ =	sdelay $0x1  }
0x38: {  	s17 =	sadd.s32 $0x10, s17  }
0x39: {  	vm1 =	vgt.s32 v0, $0x0;
	s16 =	sadd.s32 $0x10, s16;
	v2 =	vmov v0;
	(ifvalue) =	ssetifvalue $0x7FFFFFFF;
	v0 =	vld.msk [tilespmem:s17+$0x0 ss:$0x1], $0xffff  }
.Ltmp4:
0x3a: {  	_ = 	snop;
	(pc) =	sbr.rel .LBB2_4-.Ltmp4, $1  }
0x3b: {  	_ =	sdelay $0x3  }
.LBB2_6:
0x3c: {  	_ =	sfence.sel $0x180000  }
0x3d: {  	s2 =	simm.s32 $0x2;
	[bflag:$0x0] =	sbarrier.arrive $0xFFFF  }
0x3e: {  	s30 =	simm.s32 $0x3;
	[sflag:s2] =	ssyncpa.u1 $0x1  }
0x3f: {  	s31 =	simm.s32 $0x1;
	[sflag:s30] =	ssyncpa.u1 $0x1  }
0x40: {  	[sflag:s31] =	ssyncpa.u1 $0x1  }
0x41: {  	p0 =	sne.s32 s1, $0x0;
	_ =	strace $0x9000004A  }
0x42: {  	s0 =	sadd.s32 @!p0 $0x100000, s0;
	[bflag:$0x2] =	sbarrier.arrive $0xFFFF  }
0x43: {  	[sflag:s0] =	ssyncadd.tile.s32 @!p0 $0x1;
	_ =	shalt  }
.Lfunc_end2:
_tile_overlayer_lowered:
.L_overlay_start_2:
0x44: {  	(tag) =	ssettag $0x2  }
0x45: {  	s0 =	rddreg [dreg:$0x0];
	s2 =	stileid.u32  }
0x46: {  	s1 =	rddreg [dreg:$0x1];
	p0 =	sne.s32 s2, $0x0  }
0x47: {  	s3 =	rddreg [dreg:$0x2];
	[bflag:$0x3] =	sbarrier.arrive $0xFFFF;
	s2 =	simm.s32 @!p0 $0x1C01  }
0x48: {  	[timem:s3], [sflag:s2] =	dma.local @!p0 [hbm:s0], s1  }
0x49: {  	s0 =	simm.s32 @!p0 $0x1  }
0x4a: {  	_ =	swait.ge @!p0 [sflag:s0], s1  }
0x4b: {  	s1 =	ssub.s32 @!p0 $0x0, s1;
	[sflag:s0] =	ssyncset.done @!p0 $0x0  }
0x4c: {  	[sflag:s0] =	ssyncadd.s32 @!p0 s1  }
0x4d: {  	[bflag:$0x3] =	sbarrier.arrive $0xFFFF  }
0x4e: {  	_ =	shalt  }

// kernel: kernel.4.cloned.1.call-start
scs
__scs_entry_jumppad:
0x0: {  	(pc) =	sbr.rel $0x88, $3  }
0x1: {  	(tag) =	ssettag $0x0;
	lr =	simm.s32 $0x1  }
0x2: {  	[smem:$0x3F9E] =	sst lr;
	_ =	strace $0xD0000000  }
0x3: {  	_ = 	snop  }
0x4: {  	_ = 	snop  }
0x5: {  	_ = 	snop  }
0x6: {  	_ = 	snop  }
0x7: {  	_ = 	snop  }
__scs_overlays_trampoline_lowered:
0x8: {  	[smem:$0x3FAD] =	sst s0  }
0x9: {  	[smem:$0x3FAE] =	sst s1  }
0xa: {  	[smem:$0x3FAF] =	sst s2  }
0xb: {  	[smem:$0x3FB0] =	sst s3  }
0xc: {  	[smem:$0x3FB1] =	sst s4  }
0xd: {  	[smem:$0x3FB2] =	sst s5  }
0xe: {  	[smem:$0x3FB3] =	sst s6  }
0xf: {  	[smem:$0x3FB4] =	sst s7  }
0x10: {  	[smem:$0x3FB5] =	sst s8  }
0x11: {  	[smem:$0x3FB6] =	sst s9;
	s0 =	simm.s32 @!p0 $0x0  }
0x12: {  	s1 =	sld [smem:$0x3F9C];
	s0 =	simm.s32 @p0 $0x1  }
0x13: {  	[smem:$0x3FB7] =	sst s0;
	s0 =	simm.s32 @!p1 $0x0  }
0x14: {  	s2 =	sld [smem:$0x3F9B];
	s0 =	simm.s32 @p1 $0x1  }
0x15: {  	[smem:$0x3FB8] =	sst s0;
	s0 =	simm.s32 @!p2 $0x0  }
0x16: {  	s3 =	sld [smem:$0x3FDB];
	s0 =	simm.s32 @p2 $0x1  }
0x17: {  	s4 =	simm.s32 $0x1BF5;
	[smem:$0x3FBA] =	sst s0  }
0x18: {  	s0 =	sld [smem:$0x3F9D];
	_ =	swait.ge [sflag:s4], $0x0  }
0x19: {  	s7 =	sld [smem:$0x3F9E]  }
0x1a: {  	s8 =	sadd.s32 $0xFFFFE003, lr  }
0x1b: {  	s9 =	sadd.s32 $0xFFFFFEF7, lr;
	s5 =	simm.s32 $0xFFFFFFFF;
	p2 =	slt.u32 s8, $0xFFFFF086  }
0x1c: {  	p1 =	slt.u32 s9, $0xF7A;
	s5 =	simm.s32 @!p2 $0x0  }
0x1d: {  	s5 =	simm.s32 @p1 $0x1;
	p0 =	seq.s32 s7, s2  }
0x1e: {  	s7 =	smul.u32 @!p0 $0xF7A, s2;
	p2 =	seq.s32 @!p0 s5, $0x0  }
0x1f: {  	s9 =	smul.u32 $0xF7A, s1;
	s8 =	simm.s32 @!p0 $0x1BF5;
	p2 =	por !p2, p0  }
0x20: {  	[sflag:s8] =	ssyncset.s32 @!p0 $0xFFFFF086;
	s6 =	sadd.s32 @!p0 s3, s7;
	s7 =	simm.s32 @!p0 $0x108  }
0x21: {  	s3 =	sadd.s32 s3, s9;
	s6 =	sadd.s32 @!p0 $0x88, s6;
	s7 =	simm.s32 @p2 $0x1082  }
0x22: {  	[simem:s7], [sflag:s8] =	dma.local @!p0 [hbm:s6], $0xF7A  }
0x23: {  	s9 =	sor.u32 $0xD0000000, s2;
	s6 =	simm.s32 $0x108;
	_ =	swait.ge @!p0 [sflag:s8], $0x0  }
0x24: {  	s3 =	sadd.s32 $0x88, s3;
	s6 =	simm.s32 @!p1 $0x1082;
	[sflag:s4] =	ssyncset.s32 $0xFFFFF086  }
0x25: {  	[simem:s6], [sflag:s4] =	dma.local [hbm:s3], $0xF7A  }
0x26: {  	[smem:$0x3F9E] =	sst s1;
	(tag) =	ssettag s2;
	_ =	strace s9  }
0x27: {  	s1 =	sld [smem:$0x3FAE]  }
0x28: {  	s2 =	sld [smem:$0x3FAF]  }
0x29: {  	s4 =	sld [smem:$0x3FB1]  }
0x2a: {  	p0 =	seq.s32 s5, $0x0;
	s5 =	sld [smem:$0x3FB2]  }
0x2b: {  	s6 =	sld [smem:$0x3FB3]  }
0x2c: {  	s7 =	sld [smem:$0x3FB4]  }
0x2d: {  	s3 =	simm.s32 $0x108;
	s8 =	sld [smem:$0x3FB5]  }
0x2e: {  	s3 =	simm.s32 @!p0 $0x1082;
	s9 =	sld [smem:$0x3FB6]  }
0x2f: {  	lr =	sadd.s32 s0, s3;
	s0 =	sld [smem:$0x3FAD]  }
0x30: {  	s3 =	sld [smem:$0x3FB0]  }
0x31: {  	[smem:$0x3FB9] =	sst s10  }
0x32: {  	s10 =	sld [smem:$0x3FB7];
	_ =	sdelay $0x3  }
0x33: {  	p0 =	seq.s32 s10, $0x1;
	s10 =	sld [smem:$0x3FB9];
	_ =	sdelay $0x3  }
0x34: {  	[smem:$0x3FB9] =	sst s10  }
0x35: {  	s10 =	sld [smem:$0x3FB8];
	_ =	sdelay $0x3  }
0x36: {  	p1 =	seq.s32 s10, $0x1;
	s10 =	sld [smem:$0x3FB9];
	_ =	sdelay $0x3  }
0x37: {  	[smem:$0x3FB9] =	sst s10  }
0x38: {  	s10 =	sld [smem:$0x3FBA]  }
0x39: {  	_ = 	snop;
	(pc) =	sbr.ind lr, $3  }
0x3a: {  	_ = 	snop  }
0x3b: {  	_ = 	snop  }
0x3c: {  	p2 =	seq.s32 s10, $0x1;
	s10 =	sld [smem:$0x3FB9]  }
0x3d: {  	_ =	shalt  }
0x3e: {  	_ =	shalt  }
0x3f: {  	_ =	shalt  }
0x40: {  	_ =	shalt  }
0x41: {  	_ =	shalt  }
0x42: {  	_ =	shalt  }
0x43: {  	_ =	shalt  }
0x44: {  	_ =	shalt  }
0x45: {  	_ =	shalt  }
0x46: {  	_ =	shalt  }
0x47: {  	_ =	shalt  }
0x48: {  	_ =	shalt  }
0x49: {  	_ =	shalt  }
0x4a: {  	_ =	shalt  }
0x4b: {  	_ =	shalt  }
0x4c: {  	_ =	shalt  }
0x4d: {  	_ =	shalt  }
0x4e: {  	_ =	shalt  }
0x4f: {  	_ =	shalt  }
0x50: {  	_ =	shalt  }
0x51: {  	_ =	shalt  }
0x52: {  	_ =	shalt  }
0x53: {  	_ =	shalt  }
0x54: {  	_ =	shalt  }
0x55: {  	_ =	shalt  }
0x56: {  	_ =	shalt  }
0x57: {  	_ =	shalt  }
0x58: {  	_ =	shalt  }
0x59: {  	_ =	shalt  }
0x5a: {  	_ =	shalt  }
0x5b: {  	_ =	shalt  }
0x5c: {  	_ =	shalt  }
0x5d: {  	_ =	shalt  }
0x5e: {  	_ =	shalt  }
0x5f: {  	_ =	shalt  }
0x60: {  	_ =	shalt  }
0x61: {  	_ =	shalt  }
0x62: {  	_ =	shalt  }
0x63: {  	_ =	shalt  }
0x64: {  	_ =	shalt  }
0x65: {  	_ =	shalt  }
0x66: {  	_ =	shalt  }
0x67: {  	_ =	shalt  }
0x68: {  	_ =	shalt  }
0x69: {  	_ =	shalt  }
0x6a: {  	_ =	shalt  }
0x6b: {  	_ =	shalt  }
0x6c: {  	_ =	shalt  }
0x6d: {  	_ =	shalt  }
0x6e: {  	_ =	shalt  }
0x6f: {  	_ =	shalt  }
0x70: {  	_ =	shalt  }
0x71: {  	_ =	shalt  }
0x72: {  	_ =	shalt  }
0x73: {  	_ =	shalt  }
0x74: {  	_ =	shalt  }
0x75: {  	_ =	shalt  }
0x76: {  	_ =	shalt  }
0x77: {  	_ =	shalt  }
0x78: {  	_ =	shalt  }
0x79: {  	_ =	shalt  }
0x7a: {  	_ =	shalt  }
0x7b: {  	_ =	shalt  }
0x7c: {  	_ =	shalt  }
0x7d: {  	_ =	shalt  }
0x7e: {  	_ =	shalt  }
0x7f: {  	_ =	shalt  }
0x80: {  	_ =	shalt  }
0x81: {  	_ =	shalt  }
0x82: {  	_ =	shalt  }
0x83: {  	_ =	shalt  }
0x84: {  	_ =	shalt  }
0x85: {  	_ =	shalt  }
0x86: {  	_ =	shalt  }
0x87: {  	_ =	shalt  }
.Lfunc_end0:
.L_simem_size_0:
called_computation.1_lowered:
.L_overlay_start_0:
0x88: {  	s2 =	sld [smem:$0x3FD9]  }
0x89: {  	s3 =	sld [smem:$0x3FFE];
	_ =	sdelay $0x1  }
0x8a: {  	s1 =	srdreg.scid  }
0x8b: {  	s0 =	sand.u32 $0x1, s1  }
0x8c: {  	s16 =	sshll.u32 s0, $0xA;
	s2 =	sadd.s32 s3, s2  }
0x8d: {  	s2 =	sadd.s32 s2, s16  }
0x8e: {  	[smem:$0x3FC5] =	sst s2  }
0x8f: {  	_ = 	snop  }
0x90: {  	(tm) =	ssettm $0x1  }
0x91: {  	s17 =	sld [smem:$0x3FFB];
	_ =	sdelay $0x3  }
0x92: {  	_ =	strace s17  }
0x93: {  	s2 =	sld [smem:$0x3FFC];
	_ =	sdelay $0x3  }
0x94: {  	_ =	strace s2  }
0x95: {  	s2 =	sld [smem:$0x3FFD];
	_ =	sdelay $0x3  }
0x96: {  	_ =	strace s2  }
0x97: {  	_ =	strace $0x8FFFFFFF  }
0x98: {  	s18 =	sld [smem:$0x3FDB];
	_ =	sdelay $0x1  }
0x99: {  	s19 =	simm.s32 $_scs_section_size  }
0x9a: {  	s4 =	simm.s32 $_size__tile_overlayer_lowered;
	s5 =	simm.s32 $_tile_overlayer_lowered  }
0x9b: {  	s22 =	simm.s32 $0x1BFF;
	s21 =	sshll.u32 s5, $0x1;
	s2 =	sadd.s32 s19, s18  }
0x9c: {  	s6 =	simm.s32 $0x0;
	s20 =	sshll.u32 s4, $0x1;
	s4 =	sadd.s32 s21, s2  }
0x9d: {  	[timem:s6], [sflag:s22] =	dma.local [hbm:s4], s20  }
0x9e: {  	_ =	swait.ge [sflag:s22], s20  }
0x9f: {  	s3 =	ssub.s32 $0x0, s20;
	[sflag:s22] =	ssyncset.done $0x0  }
0xa0: {  	[sflag:s22] =	ssyncadd.s32 s3;
	_ =	sdelay $0x1  }
0xa1: {  	s23 =	simm.s32 $0x1B8B  }
0xa2: {  	_ =	swait.ge [sflag:s23], $0x1  }
0xa3: {  	[sflag:s23] =	ssyncset.done $0x0  }
0xa4: {  	s25 =	simm.s32 $0x1B8E;
	s24 =	sld [smem:$0x3FFE];
	[sflag:s23] =	ssyncadd.s32 $0xFFFFFFFF  }
0xa5: {  	s26 =	simm.s32 $execute0_lowered;
	[smem:$0x3FD2] =	sst s25  }
0xa6: {  	s4 =	sshll.u32 s26, $0x1;
	_ =	strace $0x80000046;
	[dreg:$0x1] =	wrdreg $0xFFFFFFFF  }
0xa7: {  	s28 =	simm.s32 $_size_execute0_lowered;
	s2 =	sadd.s32 s2, s4;
	[dreg:$0x0] =	wrdreg $0x0  }
0xa8: {  	s4 =	sshll.u32 s28, $0x1;
	[dreg:$0x2] =	wrdreg s2  }
0xa9: {  	[dreg:$0x3] =	wrdreg s4  }
0xaa: {  	[dreg:$0x4] =	wrdreg $0xC0  }
0xab: {  	_ =	task [dreg:s6], $0x5FFFF  }
0xac: {  	[dreg:$0x1] =	wrdreg $0xFFFFFFFF  }
0xad: {  	[dreg:$0x0] =	wrdreg $0x60  }
0xae: {  	[dreg:$0x2] =	wrdreg s24  }
0xaf: {  	[dreg:$0x3] =	wrdreg $0x9  }
0xb0: {  	_ =	task.clear_ibuf [dreg:s6], $0x4FFFF;
	_ =	strace $0x90000046  }
0xb1: {  	s29 =	simm.s32 $0x9;
	_ =	strace $0x80000048  }
0xb2: {  	_ =	swait.ge [sflag:s29], $0x1  }
0xb3: {  	[sflag:s29] =	ssyncadd.s32 $0xFFFFFFFF  }
0xb4: {  	_ =	strace $0x90000048  }
0xb5: {  	_ =	sfence  }
0xb6: {  	s30 =	sld [smem:$0x0];
	_ =	sdelay $0x2  }
0xb7: {  	s31 =	sshll.u32 s1, $0xD;
	s1 =	sshrl.u32 s1, $0x2  }
0xb8: {  	s3 =	sand.u32 $0x4000, s31;
	s1 =	sadd.s32 s1, s30  }
0xb9: {  	s0 =	sor.u32 s3, s0;
	s1 =	sshll.u32 s1, $0x11  }
0xba: {  	s0 =	sor.u32 s1, s0  }
0xbb: {  	s0 =	sadd.s32 $0x8F2B, s0  }
0xbc: {  	[sflag:s0] =	ssyncadd.remote.s32 $0x1  }
0xbd: {  	_ =	sfence.sel $0xFFFF  }
0xbe: {  	[dreg:$0x0] =	wrdreg $0xFFFFFFFF;
	(pc) =	sbr.abs _section_cstart, $3  }
0xbf: {  	[dreg:$0x1] =	wrdreg $0xFFFFFFFF  }
0xc0: {  	_ =	task.clear_ibuf [dreg:s6], $0x2FFFF;
	_ =	strace $0x9FFFFFFF  }
0xc1: {  	(tm) =	ssettm $0x7FFFFFFF  }
tec
execute0_lowered:
.L_overlay_start_1:
0x0: {  	(tag) =	ssettag $0x1  }
0x1: {  	s1 =	srdreg.scid;
	s0 =	stileid.u32  }
0x2: {  	s4 =	rddreg [dreg:$0x0];
	s2 =	simm.s32 $0x0;
	s13 =	simm.s32 $0x2  }
0x3: {  	s14 =	simm.s32 $0x0;
	s5 =	sand.u32 $0x1, s1;
	s7 =	smul.u32 $0x60000, s0  }
0x4: {  	s3 =	sshll.u32 s0, $0x1;
	s1 =	rddreg [dreg:$0x1];
	s8 =	smul.u32 $0x1800, s0  }
0x5: {  	[smem:$0x7FF] =	sst s2;
	s12 =	sadd.s32 $0x3600, s4;
	s10 =	smul.u32 $0xC00, s5  }
0x6: {  	s3 =	sor.u32 s5, s3;
	s9 =	ssub.s32 $0x2, s5;
	s5 =	smul.u32 $0x30000, s5  }
0x7: {  	_ =	strace $0x80000047;
	s6 =	smul.u32 $0xC00, s3;
	s11 =	sshrl.u32 s9, $0x1  }
0x8: {  	s3 =	sadd.s32 $0xFE6400, s4;
	s9 =	ssub.s32 s9, s11;
	s8 =	sadd.s32 s10, s8  }
0x9: {  	s30 =	sadd.s32 s5, s7;
	s10 =	simm.s32 $0xC00;
	s11 =	simm.s32 $0x2C00  }
0xa: {  	s6 =	sshrl.u32 s6, $0x3;
	s31 =	sshll.u32 s8, $0x3;
	s5 =	smax.u32 s9, $0x1  }
0xb: {  	s8 =	simm.s32 $0x3;
	s9 =	simm.s32 $0x80;
	s6 =	sadd.s32 s6, s4  }
0xc: {  	s7 =	sadd.s32 s31, s12;
	s4 =	sadd.s32 $0x600, s6;
	s6 =	sshrl.u32 s30, $0x3  }
0xd: {  	s7 =	sadd.s32 $0x400, s7;
	s6 =	sadd.s32 s6, s12;
	s12 =	simm.s32 $0x1  }
.LBB2_1:
0xe: {  	[tilespmem:s2], [sflag:$0x3] =	stream.linear.gather [hbm4b:s4+s2], $0xC00, $0x38;
	[tilespmem:$0x4C00] =	vst v63  }
0xf: {  	_ =	swait.ge [sflag:s8], $0xC00  }
0x10: {  	[sflag:s8] =	ssyncset.done $0x0  }
0x11: {  	[sflag:s8] =	ssyncadd.s32 $0xFFFFF400  }
0x12: {  	[tilespmem:s10], [sflag:$0x1] =	stream.indirect.gather [hbm4b:s3+s9], $0x40, s2, s9, $0xb8;
	[tilespmem:$0x4C00] =	vst v63  }
0x13: {  	s15 =	simm.s32 $0x80  }
0x14: {  	[tilespmem:s11], [sflag:$0x2] =	stream.indirect.gather [hbm4b:s3+s9], $0x40, s15, s9, $0xb8;
	[tilespmem:$0x4C00] =	vst v63  }
0x15: {  	_ =	swait.ge [sflag:s12], $0x2000  }
0x16: {  	[sflag:s12] =	ssyncset.done $0x0  }
0x17: {  	s30 =	sadd.s32 $0x0, s6;
	[sflag:s12] =	ssyncadd.s32 $0xFFFFE000  }
0x18: {  	[hbm4b:s30+s2] =	stream.linear.scatter [tilespmem:s10], [sflag:$0x3], $0x2000, $0x38;
	[tilespmem:$0x4C00] =	vst v63  }
0x19: {  	_ =	swait.ge [sflag:s8], $0x2000  }
0x1a: {  	[sflag:s8] =	ssyncset.done $0x0  }
0x1b: {  	[sflag:s8] =	ssyncadd.s32 $0xFFFFE000  }
0x1c: {  	_ =	swait.ge [sflag:s13], $0x2000  }
0x1d: {  	[sflag:s13] =	ssyncset.done $0x0  }
0x1e: {  	s31 =	sadd.s32 $0x0, s7;
	[sflag:s13] =	ssyncadd.s32 $0xFFFFE000  }
0x1f: {  	[hbm4b:s31+s2] =	stream.linear.scatter [tilespmem:s11], [sflag:$0x3], $0x2000, $0x38;
	[tilespmem:$0x4C00] =	vst v63  }
0x20: {  	_ =	swait.ge [sflag:s8], $0x2000  }
0x21: {  	s16 =	simm.s32 $0x0;
	s15 =	simm.s32 $0x800;
	[sflag:s8] =	ssyncset.done $0x0  }
.LBB2_2:
0x22: {  	p0 =	sne.s32 s15, $0x5800;
	[sflag:s8] =	ssyncadd.s32 $0xFFFFE000;
	s16 =	sadd.s32 $0x100, s16  }
0x23: {  	[tilespmem:s10], [sflag:$0x1] =	stream.indirect.gather [hbm4b:s3+s9], $0x40, s16, s9, $0xb8;
	[tilespmem:$0x4C00] =	vst v63  }
0x24: {  	s18 =	smov.u32 s15;
	s15 =	sadd.s32 $0x800, s15;
	s17 =	sadd.s32 $0x80, s16  }
0x25: {  	[tilespmem:s11], [sflag:$0x2] =	stream.indirect.gather [hbm4b:s3+s9], $0x40, s17, s9, $0xb8;
	[tilespmem:$0x4C00] =	vst v63  }
0x26: {  	_ =	swait.ge [sflag:s12], $0x2000  }
0x27: {  	[sflag:s12] =	ssyncset.done $0x0  }
0x28: {  	s17 =	sadd.s32 s18, s6;
	[sflag:s12] =	ssyncadd.s32 $0xFFFFE000  }
0x29: {  	[hbm4b:s17+s2] =	stream.linear.scatter [tilespmem:s10], [sflag:$0x3], $0x2000, $0x38;
	[tilespmem:$0x4C00] =	vst v63  }
0x2a: {  	_ =	swait.ge [sflag:s8], $0x2000  }
0x2b: {  	[sflag:s8] =	ssyncset.done $0x0  }
0x2c: {  	[sflag:s8] =	ssyncadd.s32 $0xFFFFE000  }
0x2d: {  	_ =	swait.ge [sflag:s13], $0x2000  }
.Ltmp0:
0x2e: {  	[sflag:s13] =	ssyncset.done $0x0;
	(pc) =	sbr.rel @p0 .LBB2_2-.Ltmp0, $4  }
0x2f: {  	s17 =	sadd.s32 s18, s7;
	[sflag:s13] =	ssyncadd.s32 $0xFFFFE000  }
0x30: {  	[hbm4b:s17+s2] =	stream.linear.scatter [tilespmem:s11], [sflag:$0x3], $0x2000, $0x38;
	[tilespmem:$0x4C00] =	vst v63  }
0x31: {  	_ =	swait.ge [sflag:s8], $0x2000  }
0x32: {  	[sflag:s8] =	ssyncset.done $0x0  }
0x33: {  	s14 =	sadd.s32 $0x1, s14  }
0x34: {  	p0 =	sne.s32 s14, s5  }
.Ltmp1:
0x35: {  	_ = 	snop;
	(pc) =	sbr.rel @p0 .LBB2_1-.Ltmp1, $2  }
0x36: {  	_ =	sdelay $0x2  }
0x37: {  	[sflag:s8] =	ssyncadd.s32 $0xFFFFE000  }
0x38: {  	_ =	sfence.sel $0x180000  }
0x39: {  	[bflag:$0x0] =	sbarrier.arrive $0xFFFF  }
0x3a: {  	p0 =	sne.s32 s0, $0x0;
	_ =	strace $0x90000047  }
0x3b: {  	s0 =	sadd.s32 @!p0 $0x100000, s1;
	[bflag:$0x2] =	sbarrier.arrive $0xFFFF  }
0x3c: {  	[sflag:s0] =	ssyncadd.tile.s32 @!p0 $0x1;
	_ =	shalt  }
.Lfunc_end2:
_tile_overlayer_lowered:
.L_overlay_start_2:
0x3d: {  	(tag) =	ssettag $0x2  }
0x3e: {  	s0 =	rddreg [dreg:$0x0];
	s2 =	stileid.u32  }
0x3f: {  	s1 =	rddreg [dreg:$0x1];
	p0 =	sne.s32 s2, $0x0  }
0x40: {  	s3 =	rddreg [dreg:$0x2];
	[bflag:$0x3] =	sbarrier.arrive $0xFFFF;
	s2 =	simm.s32 @!p0 $0x1C03  }
0x41: {  	[timem:s3], [sflag:s2] =	dma.local @!p0 [hbm:s0], s1  }
0x42: {  	s0 =	simm.s32 @!p0 $0x3  }
0x43: {  	_ =	swait.ge @!p0 [sflag:s0], s1  }
0x44: {  	s1 =	ssub.s32 @!p0 $0x0, s1;
	[sflag:s0] =	ssyncset.done @!p0 $0x0  }
0x45: {  	[sflag:s0] =	ssyncadd.s32 @!p0 s1  }
0x46: {  	[bflag:$0x3] =	sbarrier.arrive $0xFFFF  }
0x47: {  	_ =	shalt  }

</sc_bundles>
